<compile_context>
chip_gen: v7x
topology: tpu7x:2x2x1
jax: 0.10.2.dev20260603
libtpu: 0.0.44.dev20260713+nightly
codegen_flags: <defaults>
</compile_context>

<pallas_src>
import functools

import jax
import jax.numpy as jnp
import numpy as np
from jax import lax
from jax.experimental import pallas as pl
from jax.experimental.pallas import tpu as pltpu
from jax.experimental.pallas import tpu_sc as plsc

REG_MAX = 16
NUM_CLASSES = 30
NUM_ANCHORS = 2100
B = 64
G = 8
C_TOT = 4 * REG_MAX + NUM_CLASSES
C_DIST = 4 * REG_MAX
A_PAD = 2176

NUM_TILES = 32
PAIRS_PER_TILE = (B * G) // NUM_TILES
N_CLS_ELEMS = B * NUM_CLASSES * NUM_ANCHORS


def _make_anchor_rows():
    strides = [8, 16, 32]
    feats_shapes = [(40, 40), (20, 20), (10, 10)]
    pts = []
    for s, (h, w) in zip(strides, feats_shapes):
        sx = (np.arange(w, dtype=np.float32) + 0.5)
        sy = (np.arange(h, dtype=np.float32) + 0.5)
        gy, gx = np.meshgrid(sy, sx, indexing="ij")
        pts.append(np.stack((gx, gy), -1).reshape(-1, 2) * np.float32(s))
    anch = np.concatenate(pts, axis=0).astype(np.float32)
    rows = np.full((1, 8, A_PAD), 1e6, dtype=np.float32)
    rows[0, 0, :NUM_ANCHORS] = anch[:, 0]
    rows[0, 1, :NUM_ANCHORS] = anch[:, 1]
    return rows


_ANCHOR_ROWS = _make_anchor_rows()


def _tc1_body(t_ref, a_ref, base_ref, clsidx_ref, wfg_ref, wcls_ref, nfg_ref):
    t = t_ref[...]
    cls = t[:, :, 0].astype(jnp.int32)
    cx = t[:, :, 1:2] * 320.0
    cy = t[:, :, 2:3] * 320.0
    ax = a_ref[:, 0:1, :]
    ay = a_ref[:, 1:2, :]
    dx = ax - cx
    dy = ay - cy
    dist = jnp.sqrt(dx * dx + dy * dy)
    m = jnp.min(dist, axis=2, keepdims=True)
    lane = lax.broadcasted_iota(jnp.int32, (B, G, A_PAD), 2)
    best = jnp.min(jnp.where(dist == m, lane, A_PAD), axis=2)

    gi = lax.broadcasted_iota(jnp.int32, (B, G, G), 1)
    gj = lax.broadcasted_iota(jnp.int32, (B, G, G), 2)
    earlier = gj < gi
    eq = best[:, :, None] == best[:, None, :]
    ceq = cls[:, :, None] == cls[:, None, :]
    dup_fg = jnp.any(eq & earlier, axis=2)
    dup_cls = jnp.any(eq & ceq & earlier, axis=2)
    wfg = jnp.where(dup_fg, 0.0, 1.0)
    wcls = jnp.where(dup_cls, 0.0, 1.0)

    b_i = lax.broadcasted_iota(jnp.int32, (B, G), 0)
    base_ref[...] = b_i * (C_TOT * NUM_ANCHORS) + best
    clsidx_ref[...] = (
        b_i * (C_TOT * NUM_ANCHORS) + (C_DIST + cls) * NUM_ANCHORS + best
    )
    wfg_ref[...] = wfg
    wcls_ref[...] = wcls
    nfg_ref[0, 0] = jnp.sum(wfg)


_SMEM_SPEC = pl.BlockSpec(memory_space=pltpu.MemorySpace.SMEM)

_tc1 = pl.pallas_call(
    _tc1_body,
    out_shape=(
        jax.ShapeDtypeStruct((B, G), jnp.int32),
        jax.ShapeDtypeStruct((B, G), jnp.int32),
        jax.ShapeDtypeStruct((B, G), jnp.float32),
        jax.ShapeDtypeStruct((B, G), jnp.float32),
        jax.ShapeDtypeStruct((1, 1), jnp.float32),
    ),
    out_specs=(
        pl.BlockSpec((B, G), lambda: (0, 0)),
        pl.BlockSpec((B, G), lambda: (0, 0)),
        pl.BlockSpec((B, G), lambda: (0, 0)),
        pl.BlockSpec((B, G), lambda: (0, 0)),
        _SMEM_SPEC,
    ),
)


def _tc2_body(x_ref, o_ref):
    b = pl.program_id(0)
    j = pl.program_id(1)
    x = x_ref[0]
    row = lax.broadcasted_iota(jnp.int32, (8, NUM_ANCHORS), 0)
    valid = row < jnp.where(j == 3, 6, 8)
    xm = jnp.where(valid, x, 0.0)
    term = jnp.maximum(xm, 0.0) + jnp.log1p(jnp.exp(-jnp.abs(xm)))
    s = jnp.sum(jnp.where(valid, term, 0.0))

    @pl.when((b == 0) & (j == 0))
    def _():
        o_ref[0, 0] = 0.0

    o_ref[0, 0] += s


_tc2 = pl.pallas_call(
    _tc2_body,
    grid=(B, 4),
    in_specs=[
        pl.BlockSpec((1, 8, NUM_ANCHORS), lambda b, j: (b, j + 8, 0))
    ],
    out_specs=pl.BlockSpec(memory_space=pltpu.MemorySpace.SMEM),
    out_shape=jax.ShapeDtypeStruct((1, 1), jnp.float32),
)


def _sc_body(pred_hbm, base_hbm, clsidx_hbm, wfg_hbm, wcls_hbm,
             box_hbm, xsum_hbm,
             base_v, clsidx_v, wfg_v, wcls_v, idx_v, vals_v,
             obox_v, ox_v, sem):
    if True:
        return
    wid = lax.axis_index("s") * 2 + lax.axis_index("c")
    off = wid * PAIRS_PER_TILE
    pltpu.sync_copy(base_hbm.at[pl.ds(off, 16)], base_v)
    pltpu.sync_copy(clsidx_hbm.at[pl.ds(off, 16)], clsidx_v)
    pltpu.sync_copy(wfg_hbm.at[pl.ds(off, 16)], wfg_v)
    pltpu.sync_copy(wcls_hbm.at[pl.ds(off, 16)], wcls_v)

    base = base_v[...]
    for c in range(C_DIST):
        idx_v[pl.ds(c * 16, 16)] = base + (c * NUM_ANCHORS)
    idx_v[pl.ds(C_DIST * 16, 16)] = clsidx_v[...]

    if True:
        pltpu.sync_copy(wfg_v, box_hbm.at[wid])
        pltpu.sync_copy(wcls_v, xsum_hbm.at[wid])
        return
    copies = []
    for k in range(8):
        copies.append(pltpu.make_async_copy(
            pred_hbm.at[idx_v.at[pl.ds(k * 128, 128)]],
            vals_v.at[pl.ds(k * 128, 128)], sem))
    copies.append(pltpu.make_async_copy(
        pred_hbm.at[idx_v.at[pl.ds(1024, 16)]],
        vals_v.at[pl.ds(1024, 16)], sem))
    for cp in copies:
        cp.start()
    for cp in copies:
        cp.wait()

    acc = vals_v[pl.ds(0, 16)]
    for c in range(1, C_DIST):
        acc = acc + vals_v[pl.ds(c * 16, 16)]
    pm = acc * (1.0 / C_DIST)
    d = pm - 1.0
    ad = jnp.abs(d)
    hub = jnp.where(ad <= 1.0, 0.5 * d * d, ad - 0.5)
    obox_v[...] = hub * wfg_v[...]
    ox_v[...] = vals_v[pl.ds(C_DIST * 16, 16)] * wcls_v[...]
    pltpu.sync_copy(obox_v, box_hbm.at[wid])
    pltpu.sync_copy(ox_v, xsum_hbm.at[wid])


_SC_CACHE = []


def _get_sc_gather():
    if _SC_CACHE:
        return _SC_CACHE[0]
    sc = pl.kernel(
        _sc_body,
        out_type=(
            jax.ShapeDtypeStruct((NUM_TILES, 16), jnp.float32),
            jax.ShapeDtypeStruct((NUM_TILES, 16), jnp.float32),
        ),
        mesh=plsc.VectorSubcoreMesh(
            core_axis_name="c", subcore_axis_name="s"),
        scratch_types=[
            pltpu.VMEM((16,), jnp.int32),
            pltpu.VMEM((16,), jnp.int32),
            pltpu.VMEM((16,), jnp.float32),
            pltpu.VMEM((16,), jnp.float32),
            pltpu.VMEM((1040,), jnp.int32),
            pltpu.VMEM((1040,), jnp.float32),
            pltpu.VMEM((16,), jnp.float32),
            pltpu.VMEM((16,), jnp.float32),
            pltpu.SemaphoreType.DMA,
        ],
    )
    _SC_CACHE.append(sc)
    return sc


def _tc3_body(sp_ref, nfg_ref, box_ref, x_ref, lb_ref, lc_ref):
    lb_ref[0, 0] = jnp.sum(box_ref[...]) / nfg_ref[0, 0]
    lc_ref[0, 0] = (sp_ref[0, 0] - jnp.sum(x_ref[...])) / N_CLS_ELEMS


_tc3 = pl.pallas_call(
    _tc3_body,
    in_specs=[
        _SMEM_SPEC,
        _SMEM_SPEC,
        pl.BlockSpec((NUM_TILES, 16), lambda: (0, 0)),
        pl.BlockSpec((NUM_TILES, 16), lambda: (0, 0)),
    ],
    out_shape=(
        jax.ShapeDtypeStruct((1, 1), jnp.float32),
        jax.ShapeDtypeStruct((1, 1), jnp.float32),
    ),
    out_specs=(_SMEM_SPEC, _SMEM_SPEC),
)


@jax.jit
def kernel(pred, targets):
    anch = jnp.asarray(_ANCHOR_ROWS)
    base, clsidx, wfg, wcls, nfg = _tc1(targets, anch)
    spsum = _tc2(pred)
    box_part, x_part = _get_sc_gather()(
        pred.reshape(-1), base.reshape(-1), clsidx.reshape(-1),
        wfg.reshape(-1), wcls.reshape(-1))
    lb, lc = _tc3(spsum, nfg, box_part, x_part)
    return (jnp.sum(box_part), jnp.sum(x_part))

# --- scband reference (transcript-rebuilt; emitter-appended) ---
"""Pipeline reference for scband-improved-yololoss-38001870635760 (READ-ONLY COPY).

The authoritative reference and input builder live on the scoring server;
editing this copy changes nothing except your own understanding.
"""

import jax, jax.numpy as jnp
import numpy as np

REG_MAX = 16
NUM_CLASSES = 30
NUM_ANCHORS = 2100


def make_anchors():
    strides = [8, 16, 32]
    feats_shapes = [(40, 40), (20, 20), (10, 10)]
    pts = []
    for s, (h, w) in zip(strides, feats_shapes):
        sx = jnp.arange(w, dtype=jnp.float32) + 0.5
        sy = jnp.arange(h, dtype=jnp.float32) + 0.5
        gy, gx = jnp.meshgrid(sy, sx, indexing='ij')
        pts.append(jnp.stack((gx, gy), -1).reshape(-1, 2) * s)
    return jnp.concatenate(pts, axis=0)


def setup_inputs(seed: int = 0) -> dict:
    key = jax.random.key(seed)
    k1, k2, k3, k4 = jax.random.split(key, 4)
    B, G = 64, 8
    pred = jax.random.normal(k1, (B, 4 * REG_MAX + NUM_CLASSES, NUM_ANCHORS), dtype=jnp.float32)
    cls_col = jax.random.randint(k2, (B, G, 1), 0, NUM_CLASSES).astype(jnp.float32)
    ctr = jax.random.uniform(k3, (B, G, 2), dtype=jnp.float32)
    rest = jax.random.uniform(k4, (B, G, 2), dtype=jnp.float32)
    targets = jnp.concatenate([cls_col, ctr, rest], axis=-1)
    return {"pred": pred, "targets": targets}


def reference(pred, targets):
    anchors = make_anchors()  # [2100, 2]
    B = pred.shape[0]
    G = targets.shape[1]
    pred_dist = pred[:, :4 * REG_MAX, :]
    pred_cls = pred[:, 4 * REG_MAX:, :]

    gt_classes = targets[:, :, 0].astype(jnp.int32)           # [B, G]
    gt_centers = targets[:, :, 1:3] * 320.0                   # [B, G, 2]

    # per-GT nearest anchor (argmin over 2100 anchors)
    diff = anchors[None, None, :, :] - gt_centers[:, :, None, :]   # [B, G, 2100, 2]
    dist = jnp.linalg.norm(diff, axis=-1)                          # [B, G, 2100]
    best_idx = jnp.argmin(dist, axis=-1)                           # [B, G]

    bidx = jnp.repeat(jnp.arange(B), G)
    flat_best = best_idx.reshape(-1)
    flat_cls = gt_classes.reshape(-1)

    fg_mask = jnp.zeros((B, NUM_ANCHORS), dtype=bool).at[bidx, flat_best].set(True)
    target_cls = jnp.zeros_like(pred_cls).at[bidx, flat_cls, flat_best].set(1.0)

    # BCEWithLogits, mean reduction
    x = pred_cls
    t = target_cls
    loss_cls = jnp.mean(jnp.maximum(x, 0.0) - x * t + jnp.log1p(jnp.exp(-jnp.abs(x))))

    # Huber loss (delta=1) on mean-over-dist-channels at fg anchors, target = 1.0
    pm = pred_dist.mean(axis=1)                                    # [B, 2100]
    d = pm - 1.0
    hub = jnp.where(jnp.abs(d) <= 1.0, 0.5 * d * d, jnp.abs(d) - 0.5)
    fg_f = fg_mask.astype(jnp.float32)
    n_fg = jnp.sum(fg_f)
    loss_box = jnp.sum(hub * fg_f) / n_fg
    return (loss_box, loss_cls)

if __name__ == "__main__":
    import jax
    _d = setup_inputs()
    print(jax.jit(kernel)(*tuple(_d.values())))

</pallas_src>

<mosaic_0001>
#map = affine_map<(d0, d1) -> (0)>
#map1 = affine_map<(d0, d1) -> (0, 0)>
module attributes {stable_mosaic.version = 14 : i64} {
  func.func @_sc_body(%arg0: i32, %arg1: i32, %arg2: memref<12633600xf32, #tpu.memory_space<hbm>>, %arg3: memref<512xi32, #tpu.memory_space<hbm>>, %arg4: memref<512xi32, #tpu.memory_space<hbm>>, %arg5: memref<512xf32, #tpu.memory_space<hbm>>, %arg6: memref<512xf32, #tpu.memory_space<hbm>>, %arg7: memref<32x16xf32, #tpu.memory_space<hbm>>, %arg8: memref<32x16xf32, #tpu.memory_space<hbm>>, %arg9: memref<16xi32, #tpu.memory_space<vmem>>, %arg10: memref<16xi32, #tpu.memory_space<vmem>>, %arg11: memref<16xf32, #tpu.memory_space<vmem>>, %arg12: memref<16xf32, #tpu.memory_space<vmem>>, %arg13: memref<1040xi32, #tpu.memory_space<vmem>>, %arg14: memref<1040xf32, #tpu.memory_space<vmem>>, %arg15: memref<16xf32, #tpu.memory_space<vmem>>, %arg16: memref<16xf32, #tpu.memory_space<vmem>>, %arg17: memref<!tpu.dma_semaphore, #tpu.memory_space<semaphore_mem>>) attributes {dimension_semantics = [#tpu.dimension_semantics<core_parallel>, #tpu.dimension_semantics<subcore_parallel>], iteration_bounds = array<i64: 2, 16>, scalar_prefetch = 0 : i64, scratch_operands = 9 : i64, tpu.core_type = #tpu.core_type<sc_vector_subcore>, window_params = [{transform_indices = #map}, {transform_indices = #map}, {transform_indices = #map}, {transform_indices = #map}, {transform_indices = #map}, {transform_indices = #map1}, {transform_indices = #map1}]} {
    return
  }
}

module attributes {stable_mosaic.version = 14 : i64} {
  func.func @_tc1_body(%arg0: memref<64x8x5xf32, #tpu.memory_space<vmem>>, %arg1: memref<1x8x2176xf32, #tpu.memory_space<vmem>>, %arg2: memref<64x8xi32, #tpu.memory_space<vmem>>, %arg3: memref<64x8xi32, #tpu.memory_space<vmem>>, %arg4: memref<64x8xf32, #tpu.memory_space<vmem>>, %arg5: memref<64x8xf32, #tpu.memory_space<vmem>>, %arg6: memref<1x1xf32, #tpu.memory_space<smem>>) attributes {dimension_semantics = [], scalar_prefetch = 0 : i64, scratch_operands = 0 : i64, tpu.core_type = #tpu.core_type<tc>} {
    %get3A = arith.constant 0 : index
    %get3A_0 = arith.constant 0 : index
    %get3A_1 = arith.constant 0 : index
    %get3A_2 = vector.load %arg0[%get3A, %get3A_0, %get3A_1] : memref<64x8x5xf32, #tpu.memory_space<vmem>>, vector<64x8x5xf32>
    %slice3A = vector.extract_strided_slice %get3A_2 {offsets = [0, 0, 0], sizes = [64, 8, 1], strides = [1, 1, 1]} : vector<64x8x5xf32> to vector<64x8x1xf32>
    %squeeze3A = vector.shape_cast %slice3A : vector<64x8x1xf32> to vector<64x8xf32>
    %convert_element_type3A = arith.fptosi %squeeze3A : vector<64x8xf32> to vector<64x8xi32>
    %slice3A_3 = vector.extract_strided_slice %get3A_2 {offsets = [0, 0, 1], sizes = [64, 8, 1], strides = [1, 1, 1]} : vector<64x8x5xf32> to vector<64x8x1xf32>
    %mul3A = arith.constant 3.200000e+02 : f32
    %mul3A_4 = vector.broadcast %mul3A : f32 to vector<64x8x1xf32>
    %mul3A_5 = arith.mulf %slice3A_3, %mul3A_4 : vector<64x8x1xf32>
    %slice3A_6 = vector.extract_strided_slice %get3A_2 {offsets = [0, 0, 2], sizes = [64, 8, 1], strides = [1, 1, 1]} : vector<64x8x5xf32> to vector<64x8x1xf32>
    %mul3A_7 = arith.constant 3.200000e+02 : f32
    %mul3A_8 = vector.broadcast %mul3A_7 : f32 to vector<64x8x1xf32>
    %mul3A_9 = arith.mulf %slice3A_6, %mul3A_8 : vector<64x8x1xf32>
    %get3A_10 = arith.constant 0 : index
    %get3A_11 = arith.constant 0 : index
    %get3A_12 = arith.constant 0 : index
    %get3A_13 = vector.load %arg1[%get3A_10, %get3A_11, %get3A_12] : memref<1x8x2176xf32, #tpu.memory_space<vmem>>, vector<1x1x2176xf32>
    %get3A_14 = arith.constant 0 : index
    %get3A_15 = arith.constant 1 : index
    %get3A_16 = arith.constant 0 : index
    %get3A_17 = vector.load %arg1[%get3A_14, %get3A_15, %get3A_16] : memref<1x8x2176xf32, #tpu.memory_space<vmem>>, vector<1x1x2176xf32>
    %sub3A = vector.broadcast %get3A_13 : vector<1x1x2176xf32> to vector<64x8x2176xf32>
    %sub3A_18 = vector.broadcast %mul3A_5 : vector<64x8x1xf32> to vector<64x8x2176xf32>
    %sub3A_19 = arith.subf %sub3A, %sub3A_18 : vector<64x8x2176xf32>
    %sub3A_20 = vector.broadcast %get3A_17 : vector<1x1x2176xf32> to vector<64x8x2176xf32>
    %sub3A_21 = vector.broadcast %mul3A_9 : vector<64x8x1xf32> to vector<64x8x2176xf32>
    %sub3A_22 = arith.subf %sub3A_20, %sub3A_21 : vector<64x8x2176xf32>
    %mul3A_23 = arith.mulf %sub3A_19, %sub3A_19 : vector<64x8x2176xf32>
    %mul3A_24 = arith.mulf %sub3A_22, %sub3A_22 : vector<64x8x2176xf32>
    %add3A = arith.addf %mul3A_23, %mul3A_24 : vector<64x8x2176xf32>
    %sqrt3A = math.sqrt %add3A : vector<64x8x2176xf32>
    %reduce_min3A = arith.constant dense<0x7F800000> : vector<64x8xf32>
    %reduce_min3A_25 = vector.multi_reduction <minimumf>, %sqrt3A, %reduce_min3A [2] : vector<64x8x2176xf32> to vector<64x8xf32>
    %broadcast_in_dim3A = vector.shape_cast %reduce_min3A_25 : vector<64x8xf32> to vector<64x8x1xf32>
    %iota3A = tpu.iota {dimensions = array<i32: 2>} : vector<64x8x2176xi32>
    %eq3A = vector.broadcast %broadcast_in_dim3A : vector<64x8x1xf32> to vector<64x8x2176xf32>
    %eq3A_26 = arith.cmpf oeq, %sqrt3A, %eq3A : vector<64x8x2176xf32>
    %jit3A = arith.constant 2176 : i32
    %broadcast_in_dim3A_27 = vector.broadcast %jit3A : i32 to vector<64x8x2176xi32>
    %select_n3A = arith.select %eq3A_26, %iota3A, %broadcast_in_dim3A_27 : vector<64x8x2176xi1>, vector<64x8x2176xi32>
    %reduce_min3A_28 = arith.constant dense<2147483647> : vector<64x8xi32>
    %reduce_min3A_29 = vector.multi_reduction <minsi>, %select_n3A, %reduce_min3A_28 [2] : vector<64x8x2176xi32> to vector<64x8xi32>
    %iota3A_30 = tpu.iota {dimensions = array<i32: 1>} : vector<64x8x8xi32>
    %iota3A_31 = tpu.iota {dimensions = array<i32: 2>} : vector<64x8x8xi32>
    %lt3A = arith.cmpi slt, %iota3A_31, %iota3A_30 : vector<64x8x8xi32>
    %broadcast_in_dim3A_32 = vector.shape_cast %reduce_min3A_29 : vector<64x8xi32> to vector<64x8x1xi32>
    %broadcast_in_dim3A_33 = vector.shape_cast %reduce_min3A_29 : vector<64x8xi32> to vector<64x1x8xi32>
    %eq3A_34 = vector.broadcast %broadcast_in_dim3A_32 : vector<64x8x1xi32> to vector<64x8x8xi32>
    %eq3A_35 = vector.broadcast %broadcast_in_dim3A_33 : vector<64x1x8xi32> to vector<64x8x8xi32>
    %eq3A_36 = arith.cmpi eq, %eq3A_34, %eq3A_35 : vector<64x8x8xi32>
    %broadcast_in_dim3A_37 = vector.shape_cast %convert_element_type3A : vector<64x8xi32> to vector<64x8x1xi32>
    %broadcast_in_dim3A_38 = vector.shape_cast %convert_element_type3A : vector<64x8xi32> to vector<64x1x8xi32>
    %eq3A_39 = vector.broadcast %broadcast_in_dim3A_37 : vector<64x8x1xi32> to vector<64x8x8xi32>
    %eq3A_40 = vector.broadcast %broadcast_in_dim3A_38 : vector<64x1x8xi32> to vector<64x8x8xi32>
    %eq3A_41 = arith.cmpi eq, %eq3A_39, %eq3A_40 : vector<64x8x8xi32>
    %and3A = arith.andi %eq3A_36, %lt3A : vector<64x8x8xi1>
    %reduce_or3A = arith.constant 1.000000e+00 : f32
    %reduce_or3A_42 = arith.constant 0.000000e+00 : f32
    %reduce_or3A_43 = vector.broadcast %reduce_or3A : f32 to vector<64x8x8xf32>
    %reduce_or3A_44 = vector.broadcast %reduce_or3A_42 : f32 to vector<64x8x8xf32>
    %reduce_or3A_45 = arith.select %and3A, %reduce_or3A_43, %reduce_or3A_44 : vector<64x8x8xi1>, vector<64x8x8xf32>
    %reduce_or3A_46 = arith.constant dense<0xFF800000> : vector<64x8xf32>
    %reduce_or3A_47 = vector.multi_reduction <maximumf>, %reduce_or3A_45, %reduce_or3A_46 [2] : vector<64x8x8xf32> to vector<64x8xf32>
    %reduce_or3A_48 = arith.constant 0.000000e+00 : f32
    %reduce_or3A_49 = vector.broadcast %reduce_or3A_48 : f32 to vector<64x8xf32>
    %reduce_or3A_50 = arith.cmpf ogt, %reduce_or3A_47, %reduce_or3A_49 : vector<64x8xf32>
    %and3A_51 = arith.andi %eq3A_36, %eq3A_41 : vector<64x8x8xi1>
    %and3A_52 = arith.andi %and3A_51, %lt3A : vector<64x8x8xi1>
    %reduce_or3A_53 = arith.constant 1.000000e+00 : f32
    %reduce_or3A_54 = arith.constant 0.000000e+00 : f32
    %reduce_or3A_55 = vector.broadcast %reduce_or3A_53 : f32 to vector<64x8x8xf32>
    %reduce_or3A_56 = vector.broadcast %reduce_or3A_54 : f32 to vector<64x8x8xf32>
    %reduce_or3A_57 = arith.select %and3A_52, %reduce_or3A_55, %reduce_or3A_56 : vector<64x8x8xi1>, vector<64x8x8xf32>
    %reduce_or3A_58 = arith.constant dense<0xFF800000> : vector<64x8xf32>
    %reduce_or3A_59 = vector.multi_reduction <maximumf>, %reduce_or3A_57, %reduce_or3A_58 [2] : vector<64x8x8xf32> to vector<64x8xf32>
    %reduce_or3A_60 = arith.constant 0.000000e+00 : f32
    %reduce_or3A_61 = vector.broadcast %reduce_or3A_60 : f32 to vector<64x8xf32>
    %reduce_or3A_62 = arith.cmpf ogt, %reduce_or3A_59, %reduce_or3A_61 : vector<64x8xf32>
    %jit3A_63 = arith.constant 0.000000e+00 : f32
    %jit3A_64 = arith.constant 1.000000e+00 : f32
    %broadcast_in_dim3A_65 = vector.broadcast %jit3A_63 : f32 to vector<64x8xf32>
    %broadcast_in_dim3A_66 = vector.broadcast %jit3A_64 : f32 to vector<64x8xf32>
    %select_n3A_67 = arith.select %reduce_or3A_50, %broadcast_in_dim3A_65, %broadcast_in_dim3A_66 : vector<64x8xi1>, vector<64x8xf32>
    %jit3A_68 = arith.constant 0.000000e+00 : f32
    %jit3A_69 = arith.constant 1.000000e+00 : f32
    %broadcast_in_dim3A_70 = vector.broadcast %jit3A_68 : f32 to vector<64x8xf32>
    %broadcast_in_dim3A_71 = vector.broadcast %jit3A_69 : f32 to vector<64x8xf32>
    %select_n3A_72 = arith.select %reduce_or3A_62, %broadcast_in_dim3A_70, %broadcast_in_dim3A_71 : vector<64x8xi1>, vector<64x8xf32>
    %iota3A_73 = tpu.iota {dimensions = array<i32: 0>} : vector<64x8xi32>
    %mul3A_74 = arith.constant 197400 : i32
    %mul3A_75 = vector.broadcast %mul3A_74 : i32 to vector<64x8xi32>
    %mul3A_76 = arith.muli %iota3A_73, %mul3A_75 : vector<64x8xi32>
    %add3A_77 = arith.addi %mul3A_76, %reduce_min3A_29 : vector<64x8xi32>
    %swap3A = arith.constant 0 : index
    %swap3A_78 = arith.constant 0 : index
    %swap3A_79 = vector.load %arg2[%swap3A, %swap3A_78] : memref<64x8xi32, #tpu.memory_space<vmem>>, vector<64x8xi32>
    tpu.vector_store %arg2[%swap3A, %swap3A_78], %add3A_77 {strides = array<i32>} : memref<64x8xi32, #tpu.memory_space<vmem>>, vector<64x8xi32>,
    %mul3A_80 = arith.constant 197400 : i32
    %mul3A_81 = vector.broadcast %mul3A_80 : i32 to vector<64x8xi32>
    %mul3A_82 = arith.muli %iota3A_73, %mul3A_81 : vector<64x8xi32>
    %add3A_83 = arith.constant 64 : i32
    %add3A_84 = vector.broadcast %add3A_83 : i32 to vector<64x8xi32>
    %add3A_85 = arith.addi %add3A_84, %convert_element_type3A : vector<64x8xi32>
    %mul3A_86 = arith.constant 2100 : i32
    %mul3A_87 = vector.broadcast %mul3A_86 : i32 to vector<64x8xi32>
    %mul3A_88 = arith.muli %add3A_85, %mul3A_87 : vector<64x8xi32>
    %add3A_89 = arith.addi %mul3A_82, %mul3A_88 : vector<64x8xi32>
    %add3A_90 = arith.addi %add3A_89, %reduce_min3A_29 : vector<64x8xi32>
    %swap3A_91 = arith.constant 0 : index
    %swap3A_92 = arith.constant 0 : index
    %swap3A_93 = vector.load %arg3[%swap3A_91, %swap3A_92] : memref<64x8xi32, #tpu.memory_space<vmem>>, vector<64x8xi32>
    tpu.vector_store %arg3[%swap3A_91, %swap3A_92], %add3A_90 {strides = array<i32>} : memref<64x8xi32, #tpu.memory_space<vmem>>, vector<64x8xi32>,
    %swap3A_94 = arith.constant 0 : index
    %swap3A_95 = arith.constant 0 : index
    %swap3A_96 = vector.load %arg4[%swap3A_94, %swap3A_95] : memref<64x8xf32, #tpu.memory_space<vmem>>, vector<64x8xf32>
    tpu.vector_store %arg4[%swap3A_94, %swap3A_95], %select_n3A_67 {strides = array<i32>} : memref<64x8xf32, #tpu.memory_space<vmem>>, vector<64x8xf32>,
    %swap3A_97 = arith.constant 0 : index
    %swap3A_98 = arith.constant 0 : index
    %swap3A_99 = vector.load %arg5[%swap3A_97, %swap3A_98] : memref<64x8xf32, #tpu.memory_space<vmem>>, vector<64x8xf32>
    tpu.vector_store %arg5[%swap3A_97, %swap3A_98], %select_n3A_72 {strides = array<i32>} : memref<64x8xf32, #tpu.memory_space<vmem>>, vector<64x8xf32>,
    %reduce_sum3A = vector.shape_cast %select_n3A_67 : vector<64x8xf32> to vector<1x64x8xf32>
    %reduce_sum3A_100 = arith.constant dense<0.000000e+00> : vector<1xf32>
    %reduce_sum3A_101 = vector.multi_reduction <add>, %reduce_sum3A, %reduce_sum3A_100 [1, 2] : vector<1x64x8xf32> to vector<1xf32>
    %reduce_sum3A_102 = vector.shape_cast %reduce_sum3A_101 : vector<1xf32> to vector<1x1x1xf32>
    %reduce_sum3A_103 = vector.extract %reduce_sum3A_102[0, 0, 0] : f32 from vector<1x1x1xf32>
    %swap3A_104 = arith.constant 0 : index
    %swap3A_105 = arith.constant 0 : index
    %swap3A_106 = memref.load %arg6[%swap3A_104, %swap3A_105] : memref<1x1xf32, #tpu.memory_space<smem>>
    memref.store %reduce_sum3A_103, %arg6[%swap3A_104, %swap3A_105] : memref<1x1xf32, #tpu.memory_space<smem>>
    return
  }
}

</mosaic_0001>

<sc_bundles>
// kernel: kernel.4.cloned.1.call-start
scs
__scs_entry_jumppad:
0x0: {  	(pc) =	sbr.rel $0x88, $3  }
0x1: {  	(tag) =	ssettag $0x0;
	lr =	simm.s32 $0x1  }
0x2: {  	[smem:$0x3F9F] =	sst lr;
	_ =	strace $0xD0000000  }
0x3: {  	_ = 	snop  }
0x4: {  	_ = 	snop  }
0x5: {  	_ = 	snop  }
0x6: {  	_ = 	snop  }
0x7: {  	_ = 	snop  }
__scs_overlays_trampoline_lowered:
0x8: {  	[smem:$0x3FAE] =	sst s0  }
0x9: {  	[smem:$0x3FAF] =	sst s1  }
0xa: {  	[smem:$0x3FB0] =	sst s2  }
0xb: {  	[smem:$0x3FB1] =	sst s3  }
0xc: {  	[smem:$0x3FB2] =	sst s4  }
0xd: {  	[smem:$0x3FB3] =	sst s5  }
0xe: {  	[smem:$0x3FB4] =	sst s6  }
0xf: {  	[smem:$0x3FB5] =	sst s7  }
0x10: {  	[smem:$0x3FB6] =	sst s8  }
0x11: {  	[smem:$0x3FB7] =	sst s9;
	s0 =	simm.s32 @!p0 $0x0  }
0x12: {  	s1 =	sld [smem:$0x3F9D];
	s0 =	simm.s32 @p0 $0x1  }
0x13: {  	[smem:$0x3FB8] =	sst s0;
	s0 =	simm.s32 @!p1 $0x0  }
0x14: {  	s2 =	sld [smem:$0x3F9C];
	s0 =	simm.s32 @p1 $0x1  }
0x15: {  	[smem:$0x3FB9] =	sst s0;
	s0 =	simm.s32 @!p2 $0x0  }
0x16: {  	s3 =	sld [smem:$0x3FDB];
	s0 =	simm.s32 @p2 $0x1  }
0x17: {  	s4 =	simm.s32 $0x1BF5;
	[smem:$0x3FBB] =	sst s0  }
0x18: {  	s0 =	sld [smem:$0x3F9E];
	_ =	swait.ge [sflag:s4], $0x0  }
0x19: {  	s7 =	sld [smem:$0x3F9F]  }
0x1a: {  	s8 =	sadd.s32 $0xFFFFE003, lr  }
0x1b: {  	s9 =	sadd.s32 $0xFFFFFEF7, lr;
	s5 =	simm.s32 $0xFFFFFFFF;
	p2 =	slt.u32 s8, $0xFFFFF086  }
0x1c: {  	p1 =	slt.u32 s9, $0xF7A;
	s5 =	simm.s32 @!p2 $0x0  }
0x1d: {  	s5 =	simm.s32 @p1 $0x1;
	p0 =	seq.s32 s7, s2  }
0x1e: {  	s7 =	smul.u32 @!p0 $0xF7A, s2;
	p2 =	seq.s32 @!p0 s5, $0x0  }
0x1f: {  	s9 =	smul.u32 $0xF7A, s1;
	s8 =	simm.s32 @!p0 $0x1BF5;
	p2 =	por !p2, p0  }
0x20: {  	[sflag:s8] =	ssyncset.s32 @!p0 $0xFFFFF086;
	s6 =	sadd.s32 @!p0 s3, s7;
	s7 =	simm.s32 @!p0 $0x108  }
0x21: {  	s3 =	sadd.s32 s3, s9;
	s6 =	sadd.s32 @!p0 $0x88, s6;
	s7 =	simm.s32 @p2 $0x1082  }
0x22: {  	[simem:s7], [sflag:s8] =	dma.local @!p0 [hbm:s6], $0xF7A  }
0x23: {  	s9 =	sor.u32 $0xD0000000, s2;
	s6 =	simm.s32 $0x108;
	_ =	swait.ge @!p0 [sflag:s8], $0x0  }
0x24: {  	s3 =	sadd.s32 $0x88, s3;
	s6 =	simm.s32 @!p1 $0x1082;
	[sflag:s4] =	ssyncset.s32 $0xFFFFF086  }
0x25: {  	[simem:s6], [sflag:s4] =	dma.local [hbm:s3], $0xF7A  }
0x26: {  	[smem:$0x3F9F] =	sst s1;
	(tag) =	ssettag s2;
	_ =	strace s9  }
0x27: {  	s1 =	sld [smem:$0x3FAF]  }
0x28: {  	s2 =	sld [smem:$0x3FB0]  }
0x29: {  	s4 =	sld [smem:$0x3FB2]  }
0x2a: {  	p0 =	seq.s32 s5, $0x0;
	s5 =	sld [smem:$0x3FB3]  }
0x2b: {  	s6 =	sld [smem:$0x3FB4]  }
0x2c: {  	s7 =	sld [smem:$0x3FB5]  }
0x2d: {  	s3 =	simm.s32 $0x108;
	s8 =	sld [smem:$0x3FB6]  }
0x2e: {  	s3 =	simm.s32 @!p0 $0x1082;
	s9 =	sld [smem:$0x3FB7]  }
0x2f: {  	lr =	sadd.s32 s0, s3;
	s0 =	sld [smem:$0x3FAE]  }
0x30: {  	s3 =	sld [smem:$0x3FB1]  }
0x31: {  	[smem:$0x3FBA] =	sst s10  }
0x32: {  	s10 =	sld [smem:$0x3FB8];
	_ =	sdelay $0x3  }
0x33: {  	p0 =	seq.s32 s10, $0x1;
	s10 =	sld [smem:$0x3FBA];
	_ =	sdelay $0x3  }
0x34: {  	[smem:$0x3FBA] =	sst s10  }
0x35: {  	s10 =	sld [smem:$0x3FB9];
	_ =	sdelay $0x3  }
0x36: {  	p1 =	seq.s32 s10, $0x1;
	s10 =	sld [smem:$0x3FBA];
	_ =	sdelay $0x3  }
0x37: {  	[smem:$0x3FBA] =	sst s10  }
0x38: {  	s10 =	sld [smem:$0x3FBB]  }
0x39: {  	_ = 	snop;
	(pc) =	sbr.ind lr, $3  }
0x3a: {  	_ = 	snop  }
0x3b: {  	_ = 	snop  }
0x3c: {  	p2 =	seq.s32 s10, $0x1;
	s10 =	sld [smem:$0x3FBA]  }
0x3d: {  	_ =	shalt  }
0x3e: {  	_ =	shalt  }
0x3f: {  	_ =	shalt  }
0x40: {  	_ =	shalt  }
0x41: {  	_ =	shalt  }
0x42: {  	_ =	shalt  }
0x43: {  	_ =	shalt  }
0x44: {  	_ =	shalt  }
0x45: {  	_ =	shalt  }
0x46: {  	_ =	shalt  }
0x47: {  	_ =	shalt  }
0x48: {  	_ =	shalt  }
0x49: {  	_ =	shalt  }
0x4a: {  	_ =	shalt  }
0x4b: {  	_ =	shalt  }
0x4c: {  	_ =	shalt  }
0x4d: {  	_ =	shalt  }
0x4e: {  	_ =	shalt  }
0x4f: {  	_ =	shalt  }
0x50: {  	_ =	shalt  }
0x51: {  	_ =	shalt  }
0x52: {  	_ =	shalt  }
0x53: {  	_ =	shalt  }
0x54: {  	_ =	shalt  }
0x55: {  	_ =	shalt  }
0x56: {  	_ =	shalt  }
0x57: {  	_ =	shalt  }
0x58: {  	_ =	shalt  }
0x59: {  	_ =	shalt  }
0x5a: {  	_ =	shalt  }
0x5b: {  	_ =	shalt  }
0x5c: {  	_ =	shalt  }
0x5d: {  	_ =	shalt  }
0x5e: {  	_ =	shalt  }
0x5f: {  	_ =	shalt  }
0x60: {  	_ =	shalt  }
0x61: {  	_ =	shalt  }
0x62: {  	_ =	shalt  }
0x63: {  	_ =	shalt  }
0x64: {  	_ =	shalt  }
0x65: {  	_ =	shalt  }
0x66: {  	_ =	shalt  }
0x67: {  	_ =	shalt  }
0x68: {  	_ =	shalt  }
0x69: {  	_ =	shalt  }
0x6a: {  	_ =	shalt  }
0x6b: {  	_ =	shalt  }
0x6c: {  	_ =	shalt  }
0x6d: {  	_ =	shalt  }
0x6e: {  	_ =	shalt  }
0x6f: {  	_ =	shalt  }
0x70: {  	_ =	shalt  }
0x71: {  	_ =	shalt  }
0x72: {  	_ =	shalt  }
0x73: {  	_ =	shalt  }
0x74: {  	_ =	shalt  }
0x75: {  	_ =	shalt  }
0x76: {  	_ =	shalt  }
0x77: {  	_ =	shalt  }
0x78: {  	_ =	shalt  }
0x79: {  	_ =	shalt  }
0x7a: {  	_ =	shalt  }
0x7b: {  	_ =	shalt  }
0x7c: {  	_ =	shalt  }
0x7d: {  	_ =	shalt  }
0x7e: {  	_ =	shalt  }
0x7f: {  	_ =	shalt  }
0x80: {  	_ =	shalt  }
0x81: {  	_ =	shalt  }
0x82: {  	_ =	shalt  }
0x83: {  	_ =	shalt  }
0x84: {  	_ =	shalt  }
0x85: {  	_ =	shalt  }
0x86: {  	_ =	shalt  }
0x87: {  	_ =	shalt  }
.Lfunc_end0:
.L_simem_size_0:
called_computation_lowered:
.L_overlay_start_0:
0x88: {  	s1 =	sld [smem:$0x3FD9]  }
0x89: {  	s2 =	sld [smem:$0x3FFE];
	_ =	sdelay $0x1  }
0x8a: {  	s3 =	srdreg.scid  }
0x8b: {  	s0 =	sand.u32 $0x1, s3  }
0x8c: {  	s17 =	sshll.u32 s0, $0xA;
	s1 =	sadd.s32 s2, s1  }
0x8d: {  	s1 =	sadd.s32 s1, s17  }
0x8e: {  	[smem:$0x3FC6] =	sst s1  }
0x8f: {  	_ = 	snop  }
0x90: {  	(tm) =	ssettm $0x1  }
0x91: {  	s18 =	sld [smem:$0x3FFB];
	_ =	sdelay $0x3  }
0x92: {  	_ =	strace s18  }
0x93: {  	s1 =	sld [smem:$0x3FFC];
	_ =	sdelay $0x3  }
0x94: {  	_ =	strace s1  }
0x95: {  	s1 =	sld [smem:$0x3FFD];
	_ =	sdelay $0x3  }
0x96: {  	_ =	strace s1  }
0x97: {  	_ =	strace $0x8FFFFFFF  }
0x98: {  	s19 =	sld [smem:$0x3FDB];
	_ =	sdelay $0x1  }
0x99: {  	s20 =	simm.s32 $_scs_section_size  }
0x9a: {  	s4 =	simm.s32 $_size__tile_overlayer_lowered;
	s5 =	simm.s32 $_tile_overlayer_lowered  }
0x9b: {  	s23 =	simm.s32 $0x1BFF;
	s22 =	sshll.u32 s5, $0x1;
	s1 =	sadd.s32 s20, s19  }
0x9c: {  	s6 =	simm.s32 $0x0;
	s21 =	sshll.u32 s4, $0x1;
	s4 =	sadd.s32 s22, s1  }
0x9d: {  	[timem:s6], [sflag:s23] =	dma.local [hbm:s4], s21  }
0x9e: {  	_ =	swait.ge [sflag:s23], s21  }
0x9f: {  	s2 =	ssub.s32 $0x0, s21;
	[sflag:s23] =	ssyncset.done $0x0  }
0xa0: {  	[sflag:s23] =	ssyncadd.s32 s2;
	_ =	sdelay $0x1  }
0xa1: {  	s24 =	simm.s32 $0x1B8B  }
0xa2: {  	_ =	swait.ge [sflag:s24], $0x1  }
0xa3: {  	[sflag:s24] =	ssyncset.done $0x0  }
0xa4: {  	s25 =	simm.s32 $0x1B8E;
	[sflag:s24] =	ssyncadd.s32 $0xFFFFFFFF  }
0xa5: {  	s26 =	simm.s32 $execute0_lowered;
	[smem:$0x3FD2] =	sst s25  }
0xa6: {  	s2 =	sshll.u32 s26, $0x1;
	_ =	strace $0x80000046;
	[dreg:$0x1] =	wrdreg $0xFFFFFFFF  }
0xa7: {  	s28 =	simm.s32 $_size_execute0_lowered;
	s1 =	sadd.s32 s1, s2;
	[dreg:$0x0] =	wrdreg $0x0  }
0xa8: {  	s2 =	sshll.u32 s28, $0x1;
	[dreg:$0x2] =	wrdreg s1  }
0xa9: {  	[dreg:$0x3] =	wrdreg s2  }
0xaa: {  	[dreg:$0x4] =	wrdreg $0xC0  }
0xab: {  	_ =	task [dreg:s6], $0x5FFFF  }
0xac: {  	[dreg:$0x1] =	wrdreg $0xFFFFFFFF  }
0xad: {  	[dreg:$0x0] =	wrdreg $0x60  }
0xae: {  	[dreg:$0x2] =	wrdreg $0x9  }
0xaf: {  	_ =	task.clear_ibuf [dreg:s6], $0x3FFFF;
	_ =	strace $0x90000046  }
0xb0: {  	s29 =	simm.s32 $0x9;
	_ =	strace $0x80000048  }
0xb1: {  	_ =	swait.ge [sflag:s29], $0x1  }
0xb2: {  	[sflag:s29] =	ssyncadd.s32 $0xFFFFFFFF  }
0xb3: {  	_ =	strace $0x90000048  }
0xb4: {  	_ =	sfence  }
0xb5: {  	s30 =	sld [smem:$0x0];
	_ =	sdelay $0x2  }
0xb6: {  	s31 =	sshll.u32 s3, $0xD;
	s3 =	sshrl.u32 s3, $0x2  }
0xb7: {  	s2 =	sand.u32 $0x4000, s31;
	s1 =	sadd.s32 s3, s30  }
0xb8: {  	s0 =	sor.u32 s2, s0;
	s1 =	sshll.u32 s1, $0x11  }
0xb9: {  	s0 =	sor.u32 s1, s0  }
0xba: {  	s0 =	sadd.s32 $0x8F2B, s0  }
0xbb: {  	[sflag:s0] =	ssyncadd.remote.s32 $0x1  }
0xbc: {  	_ =	sfence.sel $0xFFFF  }
0xbd: {  	[dreg:$0x0] =	wrdreg $0xFFFFFFFF;
	(pc) =	sbr.abs _section_cstart, $3  }
0xbe: {  	[dreg:$0x1] =	wrdreg $0xFFFFFFFF  }
0xbf: {  	_ =	task.clear_ibuf [dreg:s6], $0x2FFFF;
	_ =	strace $0x9FFFFFFF  }
0xc0: {  	(tm) =	ssettm $0x7FFFFFFF  }
0xc1: {  	_ =	shalt  }
tec
execute0_lowered:
.L_overlay_start_1:
0x0: {  	(tag) =	ssettag $0x1  }
0x1: {  	s0 =	rddreg [dreg:$0x0];
	_ =	strace $0x80000047  }
0x2: {  	_ =	sfence.sel $0x180000  }
0x3: {  	s1 =	stileid.u32;
	[bflag:$0x0] =	sbarrier.arrive $0xFFFF  }
0x4: {  	p0 =	sne.s32 s1, $0x0;
	_ =	strace $0x90000047  }
0x5: {  	s0 =	sadd.s32 @!p0 $0x100000, s0;
	[bflag:$0x2] =	sbarrier.arrive $0xFFFF  }
0x6: {  	[sflag:s0] =	ssyncadd.tile.s32 @!p0 $0x1;
	_ =	shalt  }
.Lfunc_end2:
_tile_overlayer_lowered:
.L_overlay_start_2:
0x7: {  	(tag) =	ssettag $0x2  }
0x8: {  	s0 =	rddreg [dreg:$0x0];
	s2 =	stileid.u32  }
0x9: {  	s1 =	rddreg [dreg:$0x1];
	p0 =	sne.s32 s2, $0x0  }
0xa: {  	s3 =	rddreg [dreg:$0x2];
	[bflag:$0x3] =	sbarrier.arrive $0xFFFF;
	s2 =	simm.s32 @!p0 $0x1C01  }
0xb: {  	[timem:s3], [sflag:s2] =	dma.local @!p0 [hbm:s0], s1  }
0xc: {  	s0 =	simm.s32 @!p0 $0x1  }
0xd: {  	_ =	swait.ge @!p0 [sflag:s0], s1  }
0xe: {  	s1 =	ssub.s32 @!p0 $0x0, s1;
	[sflag:s0] =	ssyncset.done @!p0 $0x0  }
0xf: {  	[sflag:s0] =	ssyncadd.s32 @!p0 s1  }
0x10: {  	[bflag:$0x3] =	sbarrier.arrive $0xFFFF  }
0x11: {  	_ =	shalt  }

</sc_bundles>
